<compile_context>
chip_gen: v7x
topology: tpu7x:2x2x1
jax: 0.10.2.dev20260603
libtpu: 0.0.44.dev20260713+nightly
codegen_flags: <defaults>
</compile_context>

<pallas_src>
import functools

import jax
import jax.numpy as jnp
from jax import lax
from jax.experimental import pallas as pl
from jax.experimental.pallas import tpu as pltpu
from jax.experimental.pallas import tpu_sc as plsc

SC_ROWS = 512


def _enc_vq_kernel(x_ref, w1_ref, b1_ref, w2_ref, b2_ref, w3_ref, b3_ref,
                   embt_ref, e2h_ref, ze_ref, idx_ref):
    h = jnp.dot(x_ref[...], w1_ref[...], preferred_element_type=jnp.float32)
    h = jnp.maximum(h + b1_ref[...], 0.0)
    h = jnp.dot(h.astype(jnp.bfloat16), w2_ref[...],
                preferred_element_type=jnp.float32)
    h = jnp.maximum(h + b2_ref[...], 0.0)
    z = jnp.dot(h.astype(jnp.bfloat16), w3_ref[...],
                preferred_element_type=jnp.float32)
    z = z + b3_ref[...]
    ze_ref[...] = z
    mm = jnp.dot(z.astype(jnp.bfloat16), embt_ref[...],
                 preferred_element_type=jnp.float32)
    s = e2h_ref[...] - mm
    idx = jnp.argmin(s, axis=1).astype(jnp.int32)
    idx_ref[...] = idx.reshape(idx_ref.shape)


def _dec_body(zq, ze_ref, w1_ref, b1_ref, w2_ref, b2_ref, w3_ref, b3_ref,
              out_ref, ls_ref):
    d = ze_ref[...] - zq.astype(jnp.float32)
    ls_ref[...] = jnp.sum(d * d, axis=0, keepdims=True).reshape(ls_ref.shape)
    h = jnp.dot(zq, w1_ref[...], preferred_element_type=jnp.float32)
    h = jnp.maximum(h + b1_ref[...], 0.0)
    h = jnp.dot(h.astype(jnp.bfloat16), w2_ref[...],
                preferred_element_type=jnp.float32)
    h = jnp.maximum(h + b2_ref[...], 0.0)
    o = jnp.dot(h.astype(jnp.bfloat16), w3_ref[...],
                preferred_element_type=jnp.float32)
    out_ref[...] = o + b3_ref[...]


def _dec_zq_kernel(zq_ref, ze_ref, w1_ref, b1_ref, w2_ref, b2_ref,
                   w3_ref, b3_ref, out_ref, ls_ref):
    _dec_body(zq_ref[...], ze_ref, w1_ref, b1_ref, w2_ref, b2_ref,
              w3_ref, b3_ref, out_ref, ls_ref)


def _dec_onehot_kernel(idx_ref, ze_ref, embn_ref, w1_ref, b1_ref, w2_ref,
                       b2_ref, w3_ref, b3_ref, out_ref, ls_ref):
    bm, _ = idx_ref.shape
    kk = embn_ref.shape[0]
    iota = lax.broadcasted_iota(jnp.int32, (bm, kk), 1)
    oh = (iota == idx_ref[...]).astype(jnp.bfloat16)
    zq = jnp.dot(oh, embn_ref[...], preferred_element_type=jnp.float32)
    _dec_body(zq.astype(jnp.bfloat16), ze_ref, w1_ref, b1_ref, w2_ref,
              b2_ref, w3_ref, b3_ref, out_ref, ls_ref)


def _gather_rows(table, idx):
    V, ln = table.shape
    (n,) = idx.shape
    info = pltpu.get_tpu_info().sparse_core
    nw = info.num_cores * info.num_subcores
    b_per_w = n // nw
    mesh = plsc.VectorSubcoreMesh(core_axis_name="c", subcore_axis_name="s")

    @functools.partial(
        pl.kernel, mesh=mesh,
        out_type=jax.ShapeDtypeStruct((n, ln), table.dtype),
        scratch_types=[
            pltpu.VMEM((b_per_w,), jnp.int32),
            pltpu.VMEM((b_per_w, ln), table.dtype),
            pltpu.SemaphoreType.DMA,
        ],
    )
    def k(table_hbm, idx_hbm, out_hbm, idx_v, rows_v, sem):
        wid = lax.axis_index("s") * info.num_cores + lax.axis_index("c")
        base = wid * b_per_w
        pltpu.sync_copy(idx_hbm.at[pl.ds(base, b_per_w)], idx_v)
        pltpu.async_copy(table_hbm.at[idx_v], rows_v, sem).wait()
        pltpu.sync_copy(rows_v, out_hbm.at[pl.ds(base, b_per_w)])

    return k(table, idx)


def kernel(x, embedding, ew1, eb1, ew2, eb2, ew3, eb3,
           dw1, db1, dw2, db2, dw3, db3):
    Bb, Tt, A = x.shape
    N = Bb * Tt
    K, D = embedding.shape
    H = ew1.shape[0]
    bf16 = jnp.bfloat16

    xf = x.reshape(N, A).astype(bf16)
    ew1t = ew1.T.astype(bf16)
    ew2t = ew2.T.astype(bf16)
    ew3t = ew3.T.astype(bf16)
    dw1t = dw1.T.astype(bf16)
    dw2t = dw2.T.astype(bf16)
    dw3t = dw3.T.astype(bf16)
    embt = embedding.T.astype(bf16)
    embn = embedding.astype(bf16)
    emb_packed = lax.bitcast_convert_type(
        embn.reshape(K, D // 2, 2), jnp.int32)
    e2h = (0.5 * jnp.sum(embedding * embedding, axis=1)).reshape(1, K)

    ze, idx = _encode_stage(xf, ew1t, eb1, ew2t, eb2, ew3t, eb3, embt, e2h,
                            N, A, H, D, K)

    ns = SC_ROWS
    zq_packed = _gather_rows(emb_packed, idx[:ns].reshape(ns))
    zq_sc = lax.bitcast_convert_type(zq_packed, bf16).reshape(ns, D)

    dws = (dw1t, db1.reshape(1, H), dw2t, db2.reshape(1, H),
           dw3t, db3.reshape(1, A))
    out_oh, l_oh = _decode_onehot(idx[ns:], ze[ns:], embn, dws,
                                  N - ns, A, H, D, K)
    out_sc, l_sc = _decode_zq(zq_sc, ze[:ns], dws, ns, A, H, D)

    out = jnp.concatenate([out_sc, out_oh], axis=0)
    loss = (jnp.sum(l_sc) + jnp.sum(l_oh)) / (N * D)
    return (out.reshape(Bb, Tt, A), loss, loss,
            idx.reshape(Bb, Tt).astype(jnp.int32))


def _full(shape):
    return pl.BlockSpec(shape, lambda i: tuple(0 for _ in shape))


def _encode_stage(xf, ew1t, eb1, ew2t, eb2, ew3t, eb3, embt, e2h,
                  N, A, H, D, K):
    BM = 256
    grid = N // BM
    return pl.pallas_call(
        _enc_vq_kernel,
        grid=(grid,),
        in_specs=[
            pl.BlockSpec((BM, A), lambda i: (i, 0)),
            _full((A, H)),
            _full((1, H)),
            _full((H, H)),
            _full((1, H)),
            _full((H, D)),
            _full((1, D)),
            _full((D, K)),
            _full((1, K)),
        ],
        out_specs=[
            pl.BlockSpec((BM, D), lambda i: (i, 0)),
            pl.BlockSpec((BM, 1), lambda i: (i, 0)),
        ],
        out_shape=[
            jax.ShapeDtypeStruct((N, D), jnp.float32),
            jax.ShapeDtypeStruct((N, 1), jnp.int32),
        ],
        compiler_params=pltpu.CompilerParams(
            dimension_semantics=("parallel",)),
    )(xf, ew1t, eb1.reshape(1, H), ew2t, eb2.reshape(1, H),
      ew3t, eb3.reshape(1, D), embt, e2h)


def _decode_zq(zq, ze, dws, n, A, H, D):
    BM = 512
    grid = n // BM
    return pl.pallas_call(
        _dec_zq_kernel,
        grid=(grid,),
        in_specs=[
            pl.BlockSpec((BM, D), lambda i: (i, 0)),
            pl.BlockSpec((BM, D), lambda i: (i, 0)),
            _full((D, H)), _full((1, H)), _full((H, H)), _full((1, H)),
            _full((H, A)), _full((1, A)),
        ],
        out_specs=[
            pl.BlockSpec((BM, A), lambda i: (i, 0)),
            pl.BlockSpec((1, 1, D), lambda i: (i, 0, 0)),
        ],
        out_shape=[
            jax.ShapeDtypeStruct((n, A), jnp.float32),
            jax.ShapeDtypeStruct((grid, 1, D), jnp.float32),
        ],
        compiler_params=pltpu.CompilerParams(
            dimension_semantics=("parallel",)),
    )(zq, ze, *dws)


def _decode_onehot(idx, ze, embn, dws, n, A, H, D, K):
    BM = 512
    grid = n // BM
    return pl.pallas_call(
        _dec_onehot_kernel,
        grid=(grid,),
        in_specs=[
            pl.BlockSpec((BM, 1), lambda i: (i, 0)),
            pl.BlockSpec((BM, D), lambda i: (i, 0)),
            _full((K, D)),
            _full((D, H)), _full((1, H)), _full((H, H)), _full((1, H)),
            _full((H, A)), _full((1, A)),
        ],
        out_specs=[
            pl.BlockSpec((BM, A), lambda i: (i, 0)),
            pl.BlockSpec((1, 1, D), lambda i: (i, 0, 0)),
        ],
        out_shape=[
            jax.ShapeDtypeStruct((n, A), jnp.float32),
            jax.ShapeDtypeStruct((grid, 1, D), jnp.float32),
        ],
        compiler_params=pltpu.CompilerParams(
            dimension_semantics=("parallel",)),
    )(idx, ze, embn, *dws)

# --- scband reference (transcript-rebuilt; emitter-appended) ---
"""Pipeline reference for scband-vqvae-mlp-33174327394968 (READ-ONLY COPY).

The authoritative reference and input builder live on the scoring server;
editing this copy changes nothing except your own understanding.
"""

import jax, jax.numpy as jnp
import numpy as np

ACTION_DIM = 256
LATENT_DIM = 256
HIDDEN_DIM = 1024
N_EMB = 8192
B, T = 16, 1024


def setup_inputs(seed: int = 0) -> dict:
    key = jax.random.key(seed)
    ks = jax.random.split(key, 16)
    s = 0.02
    return {
        "x": jax.random.normal(ks[0], (B, T, ACTION_DIM), dtype=jnp.float32),
        "embedding": jax.random.normal(ks[1], (N_EMB, LATENT_DIM), dtype=jnp.float32),
        "ew1": jax.random.normal(ks[2], (HIDDEN_DIM, ACTION_DIM), dtype=jnp.float32) * s,
        "eb1": jnp.zeros((HIDDEN_DIM,), dtype=jnp.float32),
        "ew2": jax.random.normal(ks[3], (HIDDEN_DIM, HIDDEN_DIM), dtype=jnp.float32) * s,
        "eb2": jnp.zeros((HIDDEN_DIM,), dtype=jnp.float32),
        "ew3": jax.random.normal(ks[4], (LATENT_DIM, HIDDEN_DIM), dtype=jnp.float32) * s,
        "eb3": jnp.zeros((LATENT_DIM,), dtype=jnp.float32),
        "dw1": jax.random.normal(ks[5], (HIDDEN_DIM, LATENT_DIM), dtype=jnp.float32) * s,
        "db1": jnp.zeros((HIDDEN_DIM,), dtype=jnp.float32),
        "dw2": jax.random.normal(ks[6], (HIDDEN_DIM, HIDDEN_DIM), dtype=jnp.float32) * s,
        "db2": jnp.zeros((HIDDEN_DIM,), dtype=jnp.float32),
        "dw3": jax.random.normal(ks[7], (ACTION_DIM, HIDDEN_DIM), dtype=jnp.float32) * s,
        "db3": jnp.zeros((ACTION_DIM,), dtype=jnp.float32),
    }


def reference(x, embedding, ew1, eb1, ew2, eb2, ew3, eb3, dw1, db1, dw2, db2, dw3, db3):
    # Encoder MLP
    h = jax.nn.relu(x @ ew1.T + eb1)
    h = jax.nn.relu(h @ ew2.T + eb2)
    z_e = h @ ew3.T + eb3  # [B, T, LATENT_DIM]

    # Vector quantizer (EMA variant, eval-mode forward: no buffer updates)
    Bb, Tt, D = z_e.shape
    flat = z_e.reshape(-1, D)
    dist = (
        jnp.sum(flat ** 2, axis=1, keepdims=True)
        - 2.0 * flat @ embedding.T
        + jnp.sum(embedding ** 2, axis=1)
    )
    indices = jnp.argmin(dist, axis=1)
    z_q = jnp.take(embedding, indices, axis=0).reshape(Bb, Tt, D)
    indices = indices.reshape(Bb, Tt)

    codebook_loss = jnp.mean((jax.lax.stop_gradient(z_e) - z_q) ** 2)
    commitment_loss = jnp.mean((z_e - jax.lax.stop_gradient(z_q)) ** 2)

    # Straight-through estimator
    z_q_st = z_e + jax.lax.stop_gradient(z_q - z_e)

    # Decoder MLP
    h2 = jax.nn.relu(z_q_st @ dw1.T + db1)
    h2 = jax.nn.relu(h2 @ dw2.T + db2)
    out = h2 @ dw3.T + db3

    return (out, codebook_loss, commitment_loss, indices)

if __name__ == "__main__":
    import jax
    _d = setup_inputs()
    print(jax.jit(kernel)(*tuple(_d.values())))

</pallas_src>

<mosaic_0001>
#map = affine_map<(d0, d1) -> (0, 0)>
#map1 = affine_map<(d0, d1) -> (0)>
module attributes {stable_mosaic.version = 14 : i64} {
  func.func @k(%arg0: i32, %arg1: i32, %arg2: memref<8192x128xi32, #tpu.memory_space<hbm>>, %arg3: memref<512xi32, #tpu.memory_space<hbm>>, %arg4: memref<512x128xi32, #tpu.memory_space<hbm>>, %arg5: memref<16xi32, #tpu.memory_space<vmem>>, %arg6: memref<16x128xi32, #tpu.memory_space<vmem>>, %arg7: memref<!tpu.dma_semaphore, #tpu.memory_space<semaphore_mem>>) attributes {dimension_semantics = [#tpu.dimension_semantics<core_parallel>, #tpu.dimension_semantics<subcore_parallel>], iteration_bounds = array<i64: 2, 16>, scalar_prefetch = 0 : i64, scratch_operands = 3 : i64, tpu.core_type = #tpu.core_type<sc_vector_subcore>, window_params = [{transform_indices = #map}, {transform_indices = #map1}, {transform_indices = #map}]} {
    %mul3A = arith.constant 2 : i32
    %mul3A_0 = arith.muli %arg1, %mul3A : i32
    %add3A = arith.addi %mul3A_0, %arg0 : i32
    %mul3A_1 = arith.constant 16 : i32
    %mul3A_2 = arith.muli %add3A, %mul3A_1 : i32
    "tpu.region"() ({
      %run_scoped3A = tpu.sem_alloc : memref<!tpu.dma_semaphore, #tpu.memory_space<semaphore_mem>>
      %dma_start3A_7 = tpu.memref_slice %arg3[%mul3A_2] : memref<512xi32, #tpu.memory_space<hbm>> -> memref<16xi32, #tpu.memory_space<hbm>>
      %dma_start3A_8 = tpu.memref_slice %arg3[%mul3A_2] : memref<512xi32, #tpu.memory_space<hbm>> -> memref<16xi32, #tpu.memory_space<hbm>>
      tpu.enqueue_dma source(%dma_start3A_8 : memref<16xi32, #tpu.memory_space<hbm>>) target(%arg5 : memref<16xi32, #tpu.memory_space<vmem>>) target_semaphore(%run_scoped3A : memref<!tpu.dma_semaphore, #tpu.memory_space<semaphore_mem>>)
      %dma_wait3A_9 = tpu.memref_slice %arg3[%mul3A_2] : memref<512xi32, #tpu.memory_space<hbm>> -> memref<16xi32, #tpu.memory_space<hbm>>
      %dma_wait3A_10 = tpu.memref_slice %arg3[%mul3A_2] : memref<512xi32, #tpu.memory_space<hbm>> -> memref<16xi32, #tpu.memory_space<hbm>>
      tpu.wait_dma2 semaphore(%run_scoped3A : memref<!tpu.dma_semaphore, #tpu.memory_space<semaphore_mem>>) src(%dma_wait3A_10 : memref<16xi32, #tpu.memory_space<hbm>>) dst(%arg5 : memref<16xi32, #tpu.memory_space<vmem>>)
      tpu.yield
    }) : () -> ()
    %dma_start3A = arith.constant 0 : i32
    %dma_start3A_3 = arith.constant 0 : i32
    %dma_start3A_4 = tpu.memref_slice %arg2[%dma_start3A, %dma_start3A_3] : memref<8192x128xi32, #tpu.memory_space<hbm>> -> memref<8192x128xi32, #tpu.memory_space<hbm>>
    tpu.enqueue_indirect_dma source(%dma_start3A_4 : memref<8192x128xi32, #tpu.memory_space<hbm>>) target(%arg6 : memref<16x128xi32, #tpu.memory_space<vmem>>) offsets(%arg5 : memref<16xi32, #tpu.memory_space<vmem>>) semaphore(%arg7 : memref<!tpu.dma_semaphore, #tpu.memory_space<semaphore_mem>>)
    %dma_wait3A = arith.constant 0 : i32
    %dma_wait3A_5 = arith.constant 0 : i32
    %dma_wait3A_6 = tpu.memref_slice %arg2[%dma_wait3A, %dma_wait3A_5] : memref<8192x128xi32, #tpu.memory_space<hbm>> -> memref<8192x128xi32, #tpu.memory_space<hbm>>
    tpu.wait_indirect_dma semaphore(%arg7 : memref<!tpu.dma_semaphore, #tpu.memory_space<semaphore_mem>>) src(%dma_wait3A_6 : memref<8192x128xi32, #tpu.memory_space<hbm>>) dst(%arg6 : memref<16x128xi32, #tpu.memory_space<vmem>>)
    "tpu.region"() ({
      %run_scoped3A = tpu.sem_alloc : memref<!tpu.dma_semaphore, #tpu.memory_space<semaphore_mem>>
      %dma_start3A_7 = arith.constant 0 : i32
      %dma_start3A_8 = tpu.memref_slice %arg4[%mul3A_2, %dma_start3A_7] : memref<512x128xi32, #tpu.memory_space<hbm>> -> memref<16x128xi32, #tpu.memory_space<hbm>>
      %dma_start3A_9 = arith.constant 0 : i32
      %dma_start3A_10 = tpu.memref_slice %arg4[%mul3A_2, %dma_start3A_9] : memref<512x128xi32, #tpu.memory_space<hbm>> -> memref<16x128xi32, #tpu.memory_space<hbm>>
      tpu.enqueue_dma source(%arg6 : memref<16x128xi32, #tpu.memory_space<vmem>>) target(%dma_start3A_10 : memref<16x128xi32, #tpu.memory_space<hbm>>) target_semaphore(%run_scoped3A : memref<!tpu.dma_semaphore, #tpu.memory_space<semaphore_mem>>)
      %dma_wait3A_11 = arith.constant 0 : i32
      %dma_wait3A_12 = tpu.memref_slice %arg4[%mul3A_2, %dma_wait3A_11] : memref<512x128xi32, #tpu.memory_space<hbm>> -> memref<16x128xi32, #tpu.memory_space<hbm>>
      %dma_wait3A_13 = arith.constant 0 : i32
      %dma_wait3A_14 = tpu.memref_slice %arg4[%mul3A_2, %dma_wait3A_13] : memref<512x128xi32, #tpu.memory_space<hbm>> -> memref<16x128xi32, #tpu.memory_space<hbm>>
      tpu.wait_dma2 semaphore(%run_scoped3A : memref<!tpu.dma_semaphore, #tpu.memory_space<semaphore_mem>>) src(%arg6 : memref<16x128xi32, #tpu.memory_space<vmem>>) dst(%dma_wait3A_14 : memref<16x128xi32, #tpu.memory_space<hbm>>)
      tpu.yield
    }) : () -> ()
    return
  }
}

module attributes {stable_mosaic.version = 14 : i64} {
  func.func @_enc_vq_kernel(%arg0: i32, %arg1: memref<256x256xbf16, #tpu.memory_space<vmem>>, %arg2: memref<256x1024xbf16, #tpu.memory_space<vmem>>, %arg3: memref<1x1024xf32, #tpu.memory_space<vmem>>, %arg4: memref<1024x1024xbf16, #tpu.memory_space<vmem>>, %arg5: memref<1x1024xf32, #tpu.memory_space<vmem>>, %arg6: memref<1024x256xbf16, #tpu.memory_space<vmem>>, %arg7: memref<1x256xf32, #tpu.memory_space<vmem>>, %arg8: memref<256x8192xbf16, #tpu.memory_space<vmem>>, %arg9: memref<1x8192xf32, #tpu.memory_space<vmem>>, %arg10: memref<256x256xf32, #tpu.memory_space<vmem>>, %arg11: memref<256x1xi32, #tpu.memory_space<vmem>>) attributes {dimension_semantics = [#tpu.dimension_semantics<parallel>], iteration_bounds = array<i64: 64>, scalar_prefetch = 0 : i64, scratch_operands = 0 : i64, tpu.core_type = #tpu.core_type<tc>, window_params = [{transform_indices = @transform_0, window_bounds = array<i64: 256, 256>}, {pipeline_mode = #tpu.pipeline_mode<synchronous>, transform_indices = @transform_1, window_bounds = array<i64: 256, 1024>}, {pipeline_mode = #tpu.pipeline_mode<synchronous>, transform_indices = @transform_2, window_bounds = array<i64: 1, 1024>}, {pipeline_mode = #tpu.pipeline_mode<synchronous>, transform_indices = @transform_3, window_bounds = array<i64: 1024, 1024>}, {pipeline_mode = #tpu.pipeline_mode<synchronous>, transform_indices = @transform_4, window_bounds = array<i64: 1, 1024>}, {pipeline_mode = #tpu.pipeline_mode<synchronous>, transform_indices = @transform_5, window_bounds = array<i64: 1024, 256>}, {pipeline_mode = #tpu.pipeline_mode<synchronous>, transform_indices = @transform_6, window_bounds = array<i64: 1, 256>}, {pipeline_mode = #tpu.pipeline_mode<synchronous>, transform_indices = @transform_7, window_bounds = array<i64: 256, 8192>}, {pipeline_mode = #tpu.pipeline_mode<synchronous>, transform_indices = @transform_8, window_bounds = array<i64: 1, 8192>}, {transform_indices = @transform_9, window_bounds = array<i64: 256, 256>}, {transform_indices = @transform_10, window_bounds = array<i64: 256, 1>}]} {
    %get3A = arith.constant 0 : index
    %get3A_0 = arith.constant 0 : index
    %get3A_1 = vector.load %arg1[%get3A, %get3A_0] : memref<256x256xbf16, #tpu.memory_space<vmem>>, vector<256x256xbf16>
    %get3A_2 = arith.constant 0 : index
    %get3A_3 = arith.constant 0 : index
    %get3A_4 = vector.load %arg2[%get3A_2, %get3A_3] : memref<256x1024xbf16, #tpu.memory_space<vmem>>, vector<256x1024xbf16>
    %dot_general3A = arith.constant dense<0.000000e+00> : vector<256x1024xf32>
    %dot_general3A_5 = tpu.matmul %get3A_1, %get3A_4, %dot_general3A {dimension_numbers = #tpu.dot_dimension_numbers<[1], [0], [0], [1], [0, 0, 1, 1], [], []>, transpose_lhs_hint = false} : vector<256x256xbf16>, vector<256x1024xbf16>, vector<256x1024xf32> -> vector<256x1024xf32>
    %get3A_6 = arith.constant 0 : index
    %get3A_7 = arith.constant 0 : index
    %get3A_8 = vector.load %arg3[%get3A_6, %get3A_7] : memref<1x1024xf32, #tpu.memory_space<vmem>>, vector<1x1024xf32>
    %add3A = vector.broadcast %get3A_8 : vector<1x1024xf32> to vector<256x1024xf32>
    %add3A_9 = arith.addf %dot_general3A_5, %add3A : vector<256x1024xf32>
    %max3A = arith.constant 0.000000e+00 : f32
    %max3A_10 = vector.broadcast %max3A : f32 to vector<256x1024xf32>
    %max3A_11 = arith.maximumf %add3A_9, %max3A_10 : vector<256x1024xf32>
    %convert_element_type3A = arith.truncf %max3A_11 : vector<256x1024xf32> to vector<256x1024xbf16>
    %get3A_12 = arith.constant 0 : index
    %get3A_13 = arith.constant 0 : index
    %get3A_14 = vector.load %arg4[%get3A_12, %get3A_13] : memref<1024x1024xbf16, #tpu.memory_space<vmem>>, vector<1024x1024xbf16>
    %dot_general3A_15 = arith.constant dense<0.000000e+00> : vector<256x1024xf32>
    %dot_general3A_16 = tpu.matmul %convert_element_type3A, %get3A_14, %dot_general3A_15 {dimension_numbers = #tpu.dot_dimension_numbers<[1], [0], [0], [1], [0, 0, 1, 1], [], []>, transpose_lhs_hint = false} : vector<256x1024xbf16>, vector<1024x1024xbf16>, vector<256x1024xf32> -> vector<256x1024xf32>
    %get3A_17 = arith.constant 0 : index
    %get3A_18 = arith.constant 0 : index
    %get3A_19 = vector.load %arg5[%get3A_17, %get3A_18] : memref<1x1024xf32, #tpu.memory_space<vmem>>, vector<1x1024xf32>
    %add3A_20 = vector.broadcast %get3A_19 : vector<1x1024xf32> to vector<256x1024xf32>
    %add3A_21 = arith.addf %dot_general3A_16, %add3A_20 : vector<256x1024xf32>
    %max3A_22 = arith.constant 0.000000e+00 : f32
    %max3A_23 = vector.broadcast %max3A_22 : f32 to vector<256x1024xf32>
    %max3A_24 = arith.maximumf %add3A_21, %max3A_23 : vector<256x1024xf32>
    %convert_element_type3A_25 = arith.truncf %max3A_24 : vector<256x1024xf32> to vector<256x1024xbf16>
    %get3A_26 = arith.constant 0 : index
    %get3A_27 = arith.constant 0 : index
    %get3A_28 = vector.load %arg6[%get3A_26, %get3A_27] : memref<1024x256xbf16, #tpu.memory_space<vmem>>, vector<1024x256xbf16>
    %dot_general3A_29 = arith.constant dense<0.000000e+00> : vector<256x256xf32>
    %dot_general3A_30 = tpu.matmul %convert_element_type3A_25, %get3A_28, %dot_general3A_29 {dimension_numbers = #tpu.dot_dimension_numbers<[1], [0], [0], [1], [0, 0, 1, 1], [], []>, transpose_lhs_hint = false} : vector<256x1024xbf16>, vector<1024x256xbf16>, vector<256x256xf32> -> vector<256x256xf32>
    %get3A_31 = arith.constant 0 : index
    %get3A_32 = arith.constant 0 : index
    %get3A_33 = vector.load %arg7[%get3A_31, %get3A_32] : memref<1x256xf32, #tpu.memory_space<vmem>>, vector<1x256xf32>
    %add3A_34 = vector.broadcast %get3A_33 : vector<1x256xf32> to vector<256x256xf32>
    %add3A_35 = arith.addf %dot_general3A_30, %add3A_34 : vector<256x256xf32>
    %swap3A = arith.constant 0 : index
    %swap3A_36 = arith.constant 0 : index
    %swap3A_37 = vector.load %arg10[%swap3A, %swap3A_36] : memref<256x256xf32, #tpu.memory_space<vmem>>, vector<256x256xf32>
    tpu.vector_store %arg10[%swap3A, %swap3A_36], %add3A_35 {strides = array<i32>} : memref<256x256xf32, #tpu.memory_space<vmem>>, vector<256x256xf32>,
    %convert_element_type3A_38 = arith.truncf %add3A_35 : vector<256x256xf32> to vector<256x256xbf16>
    %get3A_39 = arith.constant 0 : index
    %get3A_40 = arith.constant 0 : index
    %get3A_41 = vector.load %arg8[%get3A_39, %get3A_40] : memref<256x8192xbf16, #tpu.memory_space<vmem>>, vector<256x8192xbf16>
    %dot_general3A_42 = arith.constant dense<0.000000e+00> : vector<256x8192xf32>
    %dot_general3A_43 = tpu.matmul %convert_element_type3A_38, %get3A_41, %dot_general3A_42 {dimension_numbers = #tpu.dot_dimension_numbers<[1], [0], [0], [1], [0, 0, 1, 1], [], []>, transpose_lhs_hint = false} : vector<256x256xbf16>, vector<256x8192xbf16>, vector<256x8192xf32> -> vector<256x8192xf32>
    %get3A_44 = arith.constant 0 : index
    %get3A_45 = arith.constant 0 : index
    %get3A_46 = vector.load %arg9[%get3A_44, %get3A_45] : memref<1x8192xf32, #tpu.memory_space<vmem>>, vector<1x8192xf32>
    %sub3A = vector.broadcast %get3A_46 : vector<1x8192xf32> to vector<256x8192xf32>
    %sub3A_47 = arith.subf %sub3A, %dot_general3A_43 : vector<256x8192xf32>
    %argmin3A = tpu.reduce_index %sub3A_47 {axis = 1 : i32, kind = #tpu.reduction_kind<arg_min>} : vector<256x8192xf32> -> vector<256xi32>
    %reshape3A = vector.shape_cast %argmin3A : vector<256xi32> to vector<256x1xi32>
    %swap3A_48 = arith.constant 0 : index
    %swap3A_49 = arith.constant 0 : index
    %swap3A_50 = vector.load %arg11[%swap3A_48, %swap3A_49] : memref<256x1xi32, #tpu.memory_space<vmem>>, vector<256x1xi32>
    tpu.vector_store %arg11[%swap3A_48, %swap3A_49], %reshape3A {strides = array<i32>} : memref<256x1xi32, #tpu.memory_space<vmem>>, vector<256x1xi32>,
    return
  }
  func.func @transform_0(%arg0: i32) -> (i32, i32) {
    %c0_i32 = arith.constant 0 : i32
    %c0_i32_0 = arith.constant 0 : i32
    return %arg0, %c0_i32 : i32, i32
  }
  func.func @transform_1(%arg0: i32) -> (i32, i32) {
    %c0_i32 = arith.constant 0 : i32
    %c0_i32_0 = arith.constant 0 : i32
    %c0_i32_1 = arith.constant 0 : i32
    return %c0_i32, %c0_i32_0 : i32, i32
  }
  func.func @transform_2(%arg0: i32) -> (i32, i32) {
    %c0_i32 = arith.constant 0 : i32
    %c0_i32_0 = arith.constant 0 : i32
    %c0_i32_1 = arith.constant 0 : i32
    return %c0_i32, %c0_i32_0 : i32, i32
  }
  func.func @transform_3(%arg0: i32) -> (i32, i32) {
    %c0_i32 = arith.constant 0 : i32
    %c0_i32_0 = arith.constant 0 : i32
    %c0_i32_1 = arith.constant 0 : i32
    return %c0_i32, %c0_i32_0 : i32, i32
  }
  func.func @transform_4(%arg0: i32) -> (i32, i32) {
    %c0_i32 = arith.constant 0 : i32
    %c0_i32_0 = arith.constant 0 : i32
    %c0_i32_1 = arith.constant 0 : i32
    return %c0_i32, %c0_i32_0 : i32, i32
  }
  func.func @transform_5(%arg0: i32) -> (i32, i32) {
    %c0_i32 = arith.constant 0 : i32
    %c0_i32_0 = arith.constant 0 : i32
    %c0_i32_1 = arith.constant 0 : i32
    return %c0_i32, %c0_i32_0 : i32, i32
  }
  func.func @transform_6(%arg0: i32) -> (i32, i32) {
    %c0_i32 = arith.constant 0 : i32
    %c0_i32_0 = arith.constant 0 : i32
    %c0_i32_1 = arith.constant 0 : i32
    return %c0_i32, %c0_i32_0 : i32, i32
  }
  func.func @transform_7(%arg0: i32) -> (i32, i32) {
    %c0_i32 = arith.constant 0 : i32
    %c0_i32_0 = arith.constant 0 : i32
    %c0_i32_1 = arith.constant 0 : i32
    return %c0_i32, %c0_i32_0 : i32, i32
  }
  func.func @transform_8(%arg0: i32) -> (i32, i32) {
    %c0_i32 = arith.constant 0 : i32
    %c0_i32_0 = arith.constant 0 : i32
    %c0_i32_1 = arith.constant 0 : i32
    return %c0_i32, %c0_i32_0 : i32, i32
  }
  func.func @transform_9(%arg0: i32) -> (i32, i32) {
    %c0_i32 = arith.constant 0 : i32
    %c0_i32_0 = arith.constant 0 : i32
    return %arg0, %c0_i32 : i32, i32
  }
  func.func @transform_10(%arg0: i32) -> (i32, i32) {
    %c0_i32 = arith.constant 0 : i32
    %c0_i32_0 = arith.constant 0 : i32
    return %arg0, %c0_i32 : i32, i32
  }
}

module attributes {stable_mosaic.version = 14 : i64} {
  func.func @_dec_onehot_kernel(%arg0: i32, %arg1: memref<512x1xi32, #tpu.memory_space<vmem>>, %arg2: memref<512x256xf32, #tpu.memory_space<vmem>>, %arg3: memref<8192x256xbf16, #tpu.memory_space<vmem>>, %arg4: memref<256x1024xbf16, #tpu.memory_space<vmem>>, %arg5: memref<1x1024xf32, #tpu.memory_space<vmem>>, %arg6: memref<1024x1024xbf16, #tpu.memory_space<vmem>>, %arg7: memref<1x1024xf32, #tpu.memory_space<vmem>>, %arg8: memref<1024x256xbf16, #tpu.memory_space<vmem>>, %arg9: memref<1x256xf32, #tpu.memory_space<vmem>>, %arg10: memref<512x256xf32, #tpu.memory_space<vmem>>, %arg11: memref<1x1x256xf32, #tpu.memory_space<vmem>>) attributes {dimension_semantics = [#tpu.dimension_semantics<parallel>], iteration_bounds = array<i64: 31>, scalar_prefetch = 0 : i64, scratch_operands = 0 : i64, tpu.core_type = #tpu.core_type<tc>, window_params = [{transform_indices = @transform_0, window_bounds = array<i64: 512, 1>}, {transform_indices = @transform_1, window_bounds = array<i64: 512, 256>}, {pipeline_mode = #tpu.pipeline_mode<synchronous>, transform_indices = @transform_2, window_bounds = array<i64: 8192, 256>}, {pipeline_mode = #tpu.pipeline_mode<synchronous>, transform_indices = @transform_3, window_bounds = array<i64: 256, 1024>}, {pipeline_mode = #tpu.pipeline_mode<synchronous>, transform_indices = @transform_4, window_bounds = array<i64: 1, 1024>}, {pipeline_mode = #tpu.pipeline_mode<synchronous>, transform_indices = @transform_5, window_bounds = array<i64: 1024, 1024>}, {pipeline_mode = #tpu.pipeline_mode<synchronous>, transform_indices = @transform_6, window_bounds = array<i64: 1, 1024>}, {pipeline_mode = #tpu.pipeline_mode<synchronous>, transform_indices = @transform_7, window_bounds = array<i64: 1024, 256>}, {pipeline_mode = #tpu.pipeline_mode<synchronous>, transform_indices = @transform_8, window_bounds = array<i64: 1, 256>}, {transform_indices = @transform_9, window_bounds = array<i64: 512, 256>}, {transform_indices = @transform_10, window_bounds = array<i64: 1, 1, 256>}]} {
    %iota3A = tpu.iota {dimensions = array<i32: 1>} : vector<512x8192xi32>
    %get3A = arith.constant 0 : index
    %get3A_0 = arith.constant 0 : index
    %get3A_1 = vector.load %arg1[%get3A, %get3A_0] : memref<512x1xi32, #tpu.memory_space<vmem>>, vector<512x1xi32>
    %eq3A = vector.broadcast %get3A_1 : vector<512x1xi32> to vector<512x8192xi32>
    %eq3A_2 = arith.cmpi eq, %iota3A, %eq3A : vector<512x8192xi32>
    %convert_element_type3A = arith.extui %eq3A_2 : vector<512x8192xi1> to vector<512x8192xi32>
    %convert_element_type3A_3 = arith.sitofp %convert_element_type3A : vector<512x8192xi32> to vector<512x8192xf32>
    %convert_element_type3A_4 = arith.truncf %convert_element_type3A_3 : vector<512x8192xf32> to vector<512x8192xbf16>
    %get3A_5 = arith.constant 0 : index
    %get3A_6 = arith.constant 0 : index
    %get3A_7 = vector.load %arg3[%get3A_5, %get3A_6] : memref<8192x256xbf16, #tpu.memory_space<vmem>>, vector<8192x256xbf16>
    %dot_general3A = arith.constant dense<0.000000e+00> : vector<512x256xf32>
    %dot_general3A_8 = tpu.matmul %convert_element_type3A_4, %get3A_7, %dot_general3A {dimension_numbers = #tpu.dot_dimension_numbers<[1], [0], [0], [1], [0, 0, 1, 1], [], []>, transpose_lhs_hint = false} : vector<512x8192xbf16>, vector<8192x256xbf16>, vector<512x256xf32> -> vector<512x256xf32>
    %convert_element_type3A_9 = arith.truncf %dot_general3A_8 : vector<512x256xf32> to vector<512x256xbf16>
    %get3A_10 = arith.constant 0 : index
    %get3A_11 = arith.constant 0 : index
    %get3A_12 = vector.load %arg2[%get3A_10, %get3A_11] : memref<512x256xf32, #tpu.memory_space<vmem>>, vector<512x256xf32>
    %convert_element_type3A_13 = arith.extf %convert_element_type3A_9 : vector<512x256xbf16> to vector<512x256xf32>
    %sub3A = arith.subf %get3A_12, %convert_element_type3A_13 : vector<512x256xf32>
    %mul3A = arith.mulf %sub3A, %sub3A : vector<512x256xf32>
    %reduce_sum3A = arith.constant dense<0.000000e+00> : vector<256xf32>
    %reduce_sum3A_14 = vector.multi_reduction <add>, %mul3A, %reduce_sum3A [0] : vector<512x256xf32> to vector<256xf32>
    %broadcast_in_dim3A = vector.shape_cast %reduce_sum3A_14 : vector<256xf32> to vector<1x256xf32>
    %reshape3A = vector.shape_cast %broadcast_in_dim3A : vector<1x256xf32> to vector<1x1x256xf32>
    %swap3A = arith.constant 0 : index
    %swap3A_15 = arith.constant 0 : index
    %swap3A_16 = arith.constant 0 : index
    %swap3A_17 = vector.load %arg11[%swap3A, %swap3A_15, %swap3A_16] : memref<1x1x256xf32, #tpu.memory_space<vmem>>, vector<1x1x256xf32>
    tpu.vector_store %arg11[%swap3A, %swap3A_15, %swap3A_16], %reshape3A {strides = array<i32>} : memref<1x1x256xf32, #tpu.memory_space<vmem>>, vector<1x1x256xf32>,
    %get3A_18 = arith.constant 0 : index
    %get3A_19 = arith.constant 0 : index
    %get3A_20 = vector.load %arg4[%get3A_18, %get3A_19] : memref<256x1024xbf16, #tpu.memory_space<vmem>>, vector<256x1024xbf16>
    %dot_general3A_21 = arith.constant dense<0.000000e+00> : vector<512x1024xf32>
    %dot_general3A_22 = tpu.matmul %convert_element_type3A_9, %get3A_20, %dot_general3A_21 {dimension_numbers = #tpu.dot_dimension_numbers<[1], [0], [0], [1], [0, 0, 1, 1], [], []>, transpose_lhs_hint = false} : vector<512x256xbf16>, vector<256x1024xbf16>, vector<512x1024xf32> -> vector<512x1024xf32>
    %get3A_23 = arith.constant 0 : index
    %get3A_24 = arith.constant 0 : index
    %get3A_25 = vector.load %arg5[%get3A_23, %get3A_24] : memref<1x1024xf32, #tpu.memory_space<vmem>>, vector<1x1024xf32>
    %add3A = vector.broadcast %get3A_25 : vector<1x1024xf32> to vector<512x1024xf32>
    %add3A_26 = arith.addf %dot_general3A_22, %add3A : vector<512x1024xf32>
    %max3A = arith.constant 0.000000e+00 : f32
    %max3A_27 = vector.broadcast %max3A : f32 to vector<512x1024xf32>
    %max3A_28 = arith.maximumf %add3A_26, %max3A_27 : vector<512x1024xf32>
    %convert_element_type3A_29 = arith.truncf %max3A_28 : vector<512x1024xf32> to vector<512x1024xbf16>
    %get3A_30 = arith.constant 0 : index
    %get3A_31 = arith.constant 0 : index
    %get3A_32 = vector.load %arg6[%get3A_30, %get3A_31] : memref<1024x1024xbf16, #tpu.memory_space<vmem>>, vector<1024x1024xbf16>
    %dot_general3A_33 = arith.constant dense<0.000000e+00> : vector<512x1024xf32>
    %dot_general3A_34 = tpu.matmul %convert_element_type3A_29, %get3A_32, %dot_general3A_33 {dimension_numbers = #tpu.dot_dimension_numbers<[1], [0], [0], [1], [0, 0, 1, 1], [], []>, transpose_lhs_hint = false} : vector<512x1024xbf16>, vector<1024x1024xbf16>, vector<512x1024xf32> -> vector<512x1024xf32>
    %get3A_35 = arith.constant 0 : index
    %get3A_36 = arith.constant 0 : index
    %get3A_37 = vector.load %arg7[%get3A_35, %get3A_36] : memref<1x1024xf32, #tpu.memory_space<vmem>>, vector<1x1024xf32>
    %add3A_38 = vector.broadcast %get3A_37 : vector<1x1024xf32> to vector<512x1024xf32>
    %add3A_39 = arith.addf %dot_general3A_34, %add3A_38 : vector<512x1024xf32>
    %max3A_40 = arith.constant 0.000000e+00 : f32
    %max3A_41 = vector.broadcast %max3A_40 : f32 to vector<512x1024xf32>
    %max3A_42 = arith.maximumf %add3A_39, %max3A_41 : vector<512x1024xf32>
    %convert_element_type3A_43 = arith.truncf %max3A_42 : vector<512x1024xf32> to vector<512x1024xbf16>
    %get3A_44 = arith.constant 0 : index
    %get3A_45 = arith.constant 0 : index
    %get3A_46 = vector.load %arg8[%get3A_44, %get3A_45] : memref<1024x256xbf16, #tpu.memory_space<vmem>>, vector<1024x256xbf16>
    %dot_general3A_47 = arith.constant dense<0.000000e+00> : vector<512x256xf32>
    %dot_general3A_48 = tpu.matmul %convert_element_type3A_43, %get3A_46, %dot_general3A_47 {dimension_numbers = #tpu.dot_dimension_numbers<[1], [0], [0], [1], [0, 0, 1, 1], [], []>, transpose_lhs_hint = false} : vector<512x1024xbf16>, vector<1024x256xbf16>, vector<512x256xf32> -> vector<512x256xf32>
    %get3A_49 = arith.constant 0 : index
    %get3A_50 = arith.constant 0 : index
    %get3A_51 = vector.load %arg9[%get3A_49, %get3A_50] : memref<1x256xf32, #tpu.memory_space<vmem>>, vector<1x256xf32>
    %add3A_52 = vector.broadcast %get3A_51 : vector<1x256xf32> to vector<512x256xf32>
    %add3A_53 = arith.addf %dot_general3A_48, %add3A_52 : vector<512x256xf32>
    %swap3A_54 = arith.constant 0 : index
    %swap3A_55 = arith.constant 0 : index
    %swap3A_56 = vector.load %arg10[%swap3A_54, %swap3A_55] : memref<512x256xf32, #tpu.memory_space<vmem>>, vector<512x256xf32>
    tpu.vector_store %arg10[%swap3A_54, %swap3A_55], %add3A_53 {strides = array<i32>} : memref<512x256xf32, #tpu.memory_space<vmem>>, vector<512x256xf32>,
    return
  }
  func.func @transform_0(%arg0: i32) -> (i32, i32) {
    %c0_i32 = arith.constant 0 : i32
    %c0_i32_0 = arith.constant 0 : i32
    return %arg0, %c0_i32 : i32, i32
  }
  func.func @transform_1(%arg0: i32) -> (i32, i32) {
    %c0_i32 = arith.constant 0 : i32
    %c0_i32_0 = arith.constant 0 : i32
    return %arg0, %c0_i32 : i32, i32
  }
  func.func @transform_2(%arg0: i32) -> (i32, i32) {
    %c0_i32 = arith.constant 0 : i32
    %c0_i32_0 = arith.constant 0 : i32
    %c0_i32_1 = arith.constant 0 : i32
    return %c0_i32, %c0_i32_0 : i32, i32
  }
  func.func @transform_3(%arg0: i32) -> (i32, i32) {
    %c0_i32 = arith.constant 0 : i32
    %c0_i32_0 = arith.constant 0 : i32
    %c0_i32_1 = arith.constant 0 : i32
    return %c0_i32, %c0_i32_0 : i32, i32
  }
  func.func @transform_4(%arg0: i32) -> (i32, i32) {
    %c0_i32 = arith.constant 0 : i32
    %c0_i32_0 = arith.constant 0 : i32
    %c0_i32_1 = arith.constant 0 : i32
    return %c0_i32, %c0_i32_0 : i32, i32
  }
  func.func @transform_5(%arg0: i32) -> (i32, i32) {
    %c0_i32 = arith.constant 0 : i32
    %c0_i32_0 = arith.constant 0 : i32
    %c0_i32_1 = arith.constant 0 : i32
    return %c0_i32, %c0_i32_0 : i32, i32
  }
  func.func @transform_6(%arg0: i32) -> (i32, i32) {
    %c0_i32 = arith.constant 0 : i32
    %c0_i32_0 = arith.constant 0 : i32
    %c0_i32_1 = arith.constant 0 : i32
    return %c0_i32, %c0_i32_0 : i32, i32
  }
  func.func @transform_7(%arg0: i32) -> (i32, i32) {
    %c0_i32 = arith.constant 0 : i32
    %c0_i32_0 = arith.constant 0 : i32
    %c0_i32_1 = arith.constant 0 : i32
    return %c0_i32, %c0_i32_0 : i32, i32
  }
  func.func @transform_8(%arg0: i32) -> (i32, i32) {
    %c0_i32 = arith.constant 0 : i32
    %c0_i32_0 = arith.constant 0 : i32
    %c0_i32_1 = arith.constant 0 : i32
    return %c0_i32, %c0_i32_0 : i32, i32
  }
  func.func @transform_9(%arg0: i32) -> (i32, i32) {
    %c0_i32 = arith.constant 0 : i32
    %c0_i32_0 = arith.constant 0 : i32
    return %arg0, %c0_i32 : i32, i32
  }
  func.func @transform_10(%arg0: i32) -> (i32, i32, i32) {
    %c0_i32 = arith.constant 0 : i32
    %c0_i32_0 = arith.constant 0 : i32
    %c0_i32_1 = arith.constant 0 : i32
    return %arg0, %c0_i32, %c0_i32_0 : i32, i32, i32
  }
}

module attributes {stable_mosaic.version = 14 : i64} {
  func.func @_dec_zq_kernel(%arg0: i32, %arg1: memref<512x256xbf16, #tpu.memory_space<vmem>>, %arg2: memref<512x256xf32, #tpu.memory_space<vmem>>, %arg3: memref<256x1024xbf16, #tpu.memory_space<vmem>>, %arg4: memref<1x1024xf32, #tpu.memory_space<vmem>>, %arg5: memref<1024x1024xbf16, #tpu.memory_space<vmem>>, %arg6: memref<1x1024xf32, #tpu.memory_space<vmem>>, %arg7: memref<1024x256xbf16, #tpu.memory_space<vmem>>, %arg8: memref<1x256xf32, #tpu.memory_space<vmem>>, %arg9: memref<512x256xf32, #tpu.memory_space<vmem>>, %arg10: memref<1x1x256xf32, #tpu.memory_space<vmem>>) attributes {dimension_semantics = [#tpu.dimension_semantics<parallel>], iteration_bounds = array<i64: 1>, scalar_prefetch = 0 : i64, scratch_operands = 0 : i64, tpu.core_type = #tpu.core_type<tc>, window_params = [{transform_indices = @transform_0, window_bounds = array<i64: 512, 256>}, {transform_indices = @transform_1, window_bounds = array<i64: 512, 256>}, {pipeline_mode = #tpu.pipeline_mode<synchronous>, transform_indices = @transform_2, window_bounds = array<i64: 256, 1024>}, {pipeline_mode = #tpu.pipeline_mode<synchronous>, transform_indices = @transform_3, window_bounds = array<i64: 1, 1024>}, {pipeline_mode = #tpu.pipeline_mode<synchronous>, transform_indices = @transform_4, window_bounds = array<i64: 1024, 1024>}, {pipeline_mode = #tpu.pipeline_mode<synchronous>, transform_indices = @transform_5, window_bounds = array<i64: 1, 1024>}, {pipeline_mode = #tpu.pipeline_mode<synchronous>, transform_indices = @transform_6, window_bounds = array<i64: 1024, 256>}, {pipeline_mode = #tpu.pipeline_mode<synchronous>, transform_indices = @transform_7, window_bounds = array<i64: 1, 256>}, {transform_indices = @transform_8, window_bounds = array<i64: 512, 256>}, {transform_indices = @transform_9, window_bounds = array<i64: 1, 1, 256>}]} {
    %get3A = arith.constant 0 : index
    %get3A_0 = arith.constant 0 : index
    %get3A_1 = vector.load %arg1[%get3A, %get3A_0] : memref<512x256xbf16, #tpu.memory_space<vmem>>, vector<512x256xbf16>
    %get3A_2 = arith.constant 0 : index
    %get3A_3 = arith.constant 0 : index
    %get3A_4 = vector.load %arg2[%get3A_2, %get3A_3] : memref<512x256xf32, #tpu.memory_space<vmem>>, vector<512x256xf32>
    %convert_element_type3A = arith.extf %get3A_1 : vector<512x256xbf16> to vector<512x256xf32>
    %sub3A = arith.subf %get3A_4, %convert_element_type3A : vector<512x256xf32>
    %mul3A = arith.mulf %sub3A, %sub3A : vector<512x256xf32>
    %reduce_sum3A = arith.constant dense<0.000000e+00> : vector<256xf32>
    %reduce_sum3A_5 = vector.multi_reduction <add>, %mul3A, %reduce_sum3A [0] : vector<512x256xf32> to vector<256xf32>
    %broadcast_in_dim3A = vector.shape_cast %reduce_sum3A_5 : vector<256xf32> to vector<1x256xf32>
    %reshape3A = vector.shape_cast %broadcast_in_dim3A : vector<1x256xf32> to vector<1x1x256xf32>
    %swap3A = arith.constant 0 : index
    %swap3A_6 = arith.constant 0 : index
    %swap3A_7 = arith.constant 0 : index
    %swap3A_8 = vector.load %arg10[%swap3A, %swap3A_6, %swap3A_7] : memref<1x1x256xf32, #tpu.memory_space<vmem>>, vector<1x1x256xf32>
    tpu.vector_store %arg10[%swap3A, %swap3A_6, %swap3A_7], %reshape3A {strides = array<i32>} : memref<1x1x256xf32, #tpu.memory_space<vmem>>, vector<1x1x256xf32>,
    %get3A_9 = arith.constant 0 : index
    %get3A_10 = arith.constant 0 : index
    %get3A_11 = vector.load %arg3[%get3A_9, %get3A_10] : memref<256x1024xbf16, #tpu.memory_space<vmem>>, vector<256x1024xbf16>
    %dot_general3A = arith.constant dense<0.000000e+00> : vector<512x1024xf32>
    %dot_general3A_12 = tpu.matmul %get3A_1, %get3A_11, %dot_general3A {dimension_numbers = #tpu.dot_dimension_numbers<[1], [0], [0], [1], [0, 0, 1, 1], [], []>, transpose_lhs_hint = false} : vector<512x256xbf16>, vector<256x1024xbf16>, vector<512x1024xf32> -> vector<512x1024xf32>
    %get3A_13 = arith.constant 0 : index
    %get3A_14 = arith.constant 0 : index
    %get3A_15 = vector.load %arg4[%get3A_13, %get3A_14] : memref<1x1024xf32, #tpu.memory_space<vmem>>, vector<1x1024xf32>
    %add3A = vector.broadcast %get3A_15 : vector<1x1024xf32> to vector<512x1024xf32>
    %add3A_16 = arith.addf %dot_general3A_12, %add3A : vector<512x1024xf32>
    %max3A = arith.constant 0.000000e+00 : f32
    %max3A_17 = vector.broadcast %max3A : f32 to vector<512x1024xf32>
    %max3A_18 = arith.maximumf %add3A_16, %max3A_17 : vector<512x1024xf32>
    %convert_element_type3A_19 = arith.truncf %max3A_18 : vector<512x1024xf32> to vector<512x1024xbf16>
    %get3A_20 = arith.constant 0 : index
    %get3A_21 = arith.constant 0 : index
    %get3A_22 = vector.load %arg5[%get3A_20, %get3A_21] : memref<1024x1024xbf16, #tpu.memory_space<vmem>>, vector<1024x1024xbf16>
    %dot_general3A_23 = arith.constant dense<0.000000e+00> : vector<512x1024xf32>
    %dot_general3A_24 = tpu.matmul %convert_element_type3A_19, %get3A_22, %dot_general3A_23 {dimension_numbers = #tpu.dot_dimension_numbers<[1], [0], [0], [1], [0, 0, 1, 1], [], []>, transpose_lhs_hint = false} : vector<512x1024xbf16>, vector<1024x1024xbf16>, vector<512x1024xf32> -> vector<512x1024xf32>
    %get3A_25 = arith.constant 0 : index
    %get3A_26 = arith.constant 0 : index
    %get3A_27 = vector.load %arg6[%get3A_25, %get3A_26] : memref<1x1024xf32, #tpu.memory_space<vmem>>, vector<1x1024xf32>
    %add3A_28 = vector.broadcast %get3A_27 : vector<1x1024xf32> to vector<512x1024xf32>
    %add3A_29 = arith.addf %dot_general3A_24, %add3A_28 : vector<512x1024xf32>
    %max3A_30 = arith.constant 0.000000e+00 : f32
    %max3A_31 = vector.broadcast %max3A_30 : f32 to vector<512x1024xf32>
    %max3A_32 = arith.maximumf %add3A_29, %max3A_31 : vector<512x1024xf32>
    %convert_element_type3A_33 = arith.truncf %max3A_32 : vector<512x1024xf32> to vector<512x1024xbf16>
    %get3A_34 = arith.constant 0 : index
    %get3A_35 = arith.constant 0 : index
    %get3A_36 = vector.load %arg7[%get3A_34, %get3A_35] : memref<1024x256xbf16, #tpu.memory_space<vmem>>, vector<1024x256xbf16>
    %dot_general3A_37 = arith.constant dense<0.000000e+00> : vector<512x256xf32>
    %dot_general3A_38 = tpu.matmul %convert_element_type3A_33, %get3A_36, %dot_general3A_37 {dimension_numbers = #tpu.dot_dimension_numbers<[1], [0], [0], [1], [0, 0, 1, 1], [], []>, transpose_lhs_hint = false} : vector<512x1024xbf16>, vector<1024x256xbf16>, vector<512x256xf32> -> vector<512x256xf32>
    %get3A_39 = arith.constant 0 : index
    %get3A_40 = arith.constant 0 : index
    %get3A_41 = vector.load %arg8[%get3A_39, %get3A_40] : memref<1x256xf32, #tpu.memory_space<vmem>>, vector<1x256xf32>
    %add3A_42 = vector.broadcast %get3A_41 : vector<1x256xf32> to vector<512x256xf32>
    %add3A_43 = arith.addf %dot_general3A_38, %add3A_42 : vector<512x256xf32>
    %swap3A_44 = arith.constant 0 : index
    %swap3A_45 = arith.constant 0 : index
    %swap3A_46 = vector.load %arg9[%swap3A_44, %swap3A_45] : memref<512x256xf32, #tpu.memory_space<vmem>>, vector<512x256xf32>
    tpu.vector_store %arg9[%swap3A_44, %swap3A_45], %add3A_43 {strides = array<i32>} : memref<512x256xf32, #tpu.memory_space<vmem>>, vector<512x256xf32>,
    return
  }
  func.func @transform_0(%arg0: i32) -> (i32, i32) {
    %c0_i32 = arith.constant 0 : i32
    %c0_i32_0 = arith.constant 0 : i32
    return %arg0, %c0_i32 : i32, i32
  }
  func.func @transform_1(%arg0: i32) -> (i32, i32) {
    %c0_i32 = arith.constant 0 : i32
    %c0_i32_0 = arith.constant 0 : i32
    return %arg0, %c0_i32 : i32, i32
  }
  func.func @transform_2(%arg0: i32) -> (i32, i32) {
    %c0_i32 = arith.constant 0 : i32
    %c0_i32_0 = arith.constant 0 : i32
    %c0_i32_1 = arith.constant 0 : i32
    return %c0_i32, %c0_i32_0 : i32, i32
  }
  func.func @transform_3(%arg0: i32) -> (i32, i32) {
    %c0_i32 = arith.constant 0 : i32
    %c0_i32_0 = arith.constant 0 : i32
    %c0_i32_1 = arith.constant 0 : i32
    return %c0_i32, %c0_i32_0 : i32, i32
  }
  func.func @transform_4(%arg0: i32) -> (i32, i32) {
    %c0_i32 = arith.constant 0 : i32
    %c0_i32_0 = arith.constant 0 : i32
    %c0_i32_1 = arith.constant 0 : i32
    return %c0_i32, %c0_i32_0 : i32, i32
  }
  func.func @transform_5(%arg0: i32) -> (i32, i32) {
    %c0_i32 = arith.constant 0 : i32
    %c0_i32_0 = arith.constant 0 : i32
    %c0_i32_1 = arith.constant 0 : i32
    return %c0_i32, %c0_i32_0 : i32, i32
  }
  func.func @transform_6(%arg0: i32) -> (i32, i32) {
    %c0_i32 = arith.constant 0 : i32
    %c0_i32_0 = arith.constant 0 : i32
    %c0_i32_1 = arith.constant 0 : i32
    return %c0_i32, %c0_i32_0 : i32, i32
  }
  func.func @transform_7(%arg0: i32) -> (i32, i32) {
    %c0_i32 = arith.constant 0 : i32
    %c0_i32_0 = arith.constant 0 : i32
    %c0_i32_1 = arith.constant 0 : i32
    return %c0_i32, %c0_i32_0 : i32, i32
  }
  func.func @transform_8(%arg0: i32) -> (i32, i32) {
    %c0_i32 = arith.constant 0 : i32
    %c0_i32_0 = arith.constant 0 : i32
    return %arg0, %c0_i32 : i32, i32
  }
  func.func @transform_9(%arg0: i32) -> (i32, i32, i32) {
    %c0_i32 = arith.constant 0 : i32
    %c0_i32_0 = arith.constant 0 : i32
    %c0_i32_1 = arith.constant 0 : i32
    return %arg0, %c0_i32, %c0_i32_0 : i32, i32, i32
  }
}

</mosaic_0001>

<sc_bundles>
// kernel: kernel.6.cloned.1.call-start
scs
__scs_entry_jumppad:
0x0: {  	(pc) =	sbr.rel $0x88, $3  }
0x1: {  	(tag) =	ssettag $0x0;
	lr =	simm.s32 $0x1  }
0x2: {  	[smem:$0x3F93] =	sst lr;
	_ =	strace $0xD0000000  }
0x3: {  	_ = 	snop  }
0x4: {  	_ = 	snop  }
0x5: {  	_ = 	snop  }
0x6: {  	_ = 	snop  }
0x7: {  	_ = 	snop  }
__scs_overlays_trampoline_lowered:
0x8: {  	[smem:$0x3FA2] =	sst s0  }
0x9: {  	[smem:$0x3FA3] =	sst s1  }
0xa: {  	[smem:$0x3FA4] =	sst s2  }
0xb: {  	[smem:$0x3FA5] =	sst s3  }
0xc: {  	[smem:$0x3FA6] =	sst s4  }
0xd: {  	[smem:$0x3FA7] =	sst s5  }
0xe: {  	[smem:$0x3FA8] =	sst s6  }
0xf: {  	[smem:$0x3FA9] =	sst s7  }
0x10: {  	[smem:$0x3FAA] =	sst s8  }
0x11: {  	[smem:$0x3FAB] =	sst s9;
	s0 =	simm.s32 @!p0 $0x0  }
0x12: {  	s1 =	sld [smem:$0x3F91];
	s0 =	simm.s32 @p0 $0x1  }
0x13: {  	[smem:$0x3FAC] =	sst s0;
	s0 =	simm.s32 @!p1 $0x0  }
0x14: {  	s2 =	sld [smem:$0x3F90];
	s0 =	simm.s32 @p1 $0x1  }
0x15: {  	[smem:$0x3FAD] =	sst s0;
	s0 =	simm.s32 @!p2 $0x0  }
0x16: {  	s3 =	sld [smem:$0x3FDB];
	s0 =	simm.s32 @p2 $0x1  }
0x17: {  	s4 =	simm.s32 $0x1BF5;
	[smem:$0x3FAF] =	sst s0  }
0x18: {  	s0 =	sld [smem:$0x3F92];
	_ =	swait.ge [sflag:s4], $0x0  }
0x19: {  	s7 =	sld [smem:$0x3F93]  }
0x1a: {  	s8 =	sadd.s32 $0xFFFFE003, lr  }
0x1b: {  	s9 =	sadd.s32 $0xFFFFFEF7, lr;
	s5 =	simm.s32 $0xFFFFFFFF;
	p2 =	slt.u32 s8, $0xFFFFF086  }
0x1c: {  	p1 =	slt.u32 s9, $0xF7A;
	s5 =	simm.s32 @!p2 $0x0  }
0x1d: {  	s5 =	simm.s32 @p1 $0x1;
	p0 =	seq.s32 s7, s2  }
0x1e: {  	s7 =	smul.u32 @!p0 $0xF7A, s2;
	p2 =	seq.s32 @!p0 s5, $0x0  }
0x1f: {  	s9 =	smul.u32 $0xF7A, s1;
	s8 =	simm.s32 @!p0 $0x1BF5;
	p2 =	por !p2, p0  }
0x20: {  	[sflag:s8] =	ssyncset.s32 @!p0 $0xFFFFF086;
	s6 =	sadd.s32 @!p0 s3, s7;
	s7 =	simm.s32 @!p0 $0x108  }
0x21: {  	s3 =	sadd.s32 s3, s9;
	s6 =	sadd.s32 @!p0 $0x88, s6;
	s7 =	simm.s32 @p2 $0x1082  }
0x22: {  	[simem:s7], [sflag:s8] =	dma.local @!p0 [hbm:s6], $0xF7A  }
0x23: {  	s9 =	sor.u32 $0xD0000000, s2;
	s6 =	simm.s32 $0x108;
	_ =	swait.ge @!p0 [sflag:s8], $0x0  }
0x24: {  	s3 =	sadd.s32 $0x88, s3;
	s6 =	simm.s32 @!p1 $0x1082;
	[sflag:s4] =	ssyncset.s32 $0xFFFFF086  }
0x25: {  	[simem:s6], [sflag:s4] =	dma.local [hbm:s3], $0xF7A  }
0x26: {  	[smem:$0x3F93] =	sst s1;
	(tag) =	ssettag s2;
	_ =	strace s9  }
0x27: {  	s1 =	sld [smem:$0x3FA3]  }
0x28: {  	s2 =	sld [smem:$0x3FA4]  }
0x29: {  	s4 =	sld [smem:$0x3FA6]  }
0x2a: {  	p0 =	seq.s32 s5, $0x0;
	s5 =	sld [smem:$0x3FA7]  }
0x2b: {  	s6 =	sld [smem:$0x3FA8]  }
0x2c: {  	s7 =	sld [smem:$0x3FA9]  }
0x2d: {  	s3 =	simm.s32 $0x108;
	s8 =	sld [smem:$0x3FAA]  }
0x2e: {  	s3 =	simm.s32 @!p0 $0x1082;
	s9 =	sld [smem:$0x3FAB]  }
0x2f: {  	lr =	sadd.s32 s0, s3;
	s0 =	sld [smem:$0x3FA2]  }
0x30: {  	s3 =	sld [smem:$0x3FA5]  }
0x31: {  	[smem:$0x3FAE] =	sst s10  }
0x32: {  	s10 =	sld [smem:$0x3FAC];
	_ =	sdelay $0x3  }
0x33: {  	p0 =	seq.s32 s10, $0x1;
	s10 =	sld [smem:$0x3FAE];
	_ =	sdelay $0x3  }
0x34: {  	[smem:$0x3FAE] =	sst s10  }
0x35: {  	s10 =	sld [smem:$0x3FAD];
	_ =	sdelay $0x3  }
0x36: {  	p1 =	seq.s32 s10, $0x1;
	s10 =	sld [smem:$0x3FAE];
	_ =	sdelay $0x3  }
0x37: {  	[smem:$0x3FAE] =	sst s10  }
0x38: {  	s10 =	sld [smem:$0x3FAF]  }
0x39: {  	_ = 	snop;
	(pc) =	sbr.ind lr, $3  }
0x3a: {  	_ = 	snop  }
0x3b: {  	_ = 	snop  }
0x3c: {  	p2 =	seq.s32 s10, $0x1;
	s10 =	sld [smem:$0x3FAE]  }
0x3d: {  	_ =	shalt  }
0x3e: {  	_ =	shalt  }
0x3f: {  	_ =	shalt  }
0x40: {  	_ =	shalt  }
0x41: {  	_ =	shalt  }
0x42: {  	_ =	shalt  }
0x43: {  	_ =	shalt  }
0x44: {  	_ =	shalt  }
0x45: {  	_ =	shalt  }
0x46: {  	_ =	shalt  }
0x47: {  	_ =	shalt  }
0x48: {  	_ =	shalt  }
0x49: {  	_ =	shalt  }
0x4a: {  	_ =	shalt  }
0x4b: {  	_ =	shalt  }
0x4c: {  	_ =	shalt  }
0x4d: {  	_ =	shalt  }
0x4e: {  	_ =	shalt  }
0x4f: {  	_ =	shalt  }
0x50: {  	_ =	shalt  }
0x51: {  	_ =	shalt  }
0x52: {  	_ =	shalt  }
0x53: {  	_ =	shalt  }
0x54: {  	_ =	shalt  }
0x55: {  	_ =	shalt  }
0x56: {  	_ =	shalt  }
0x57: {  	_ =	shalt  }
0x58: {  	_ =	shalt  }
0x59: {  	_ =	shalt  }
0x5a: {  	_ =	shalt  }
0x5b: {  	_ =	shalt  }
0x5c: {  	_ =	shalt  }
0x5d: {  	_ =	shalt  }
0x5e: {  	_ =	shalt  }
0x5f: {  	_ =	shalt  }
0x60: {  	_ =	shalt  }
0x61: {  	_ =	shalt  }
0x62: {  	_ =	shalt  }
0x63: {  	_ =	shalt  }
0x64: {  	_ =	shalt  }
0x65: {  	_ =	shalt  }
0x66: {  	_ =	shalt  }
0x67: {  	_ =	shalt  }
0x68: {  	_ =	shalt  }
0x69: {  	_ =	shalt  }
0x6a: {  	_ =	shalt  }
0x6b: {  	_ =	shalt  }
0x6c: {  	_ =	shalt  }
0x6d: {  	_ =	shalt  }
0x6e: {  	_ =	shalt  }
0x6f: {  	_ =	shalt  }
0x70: {  	_ =	shalt  }
0x71: {  	_ =	shalt  }
0x72: {  	_ =	shalt  }
0x73: {  	_ =	shalt  }
0x74: {  	_ =	shalt  }
0x75: {  	_ =	shalt  }
0x76: {  	_ =	shalt  }
0x77: {  	_ =	shalt  }
0x78: {  	_ =	shalt  }
0x79: {  	_ =	shalt  }
0x7a: {  	_ =	shalt  }
0x7b: {  	_ =	shalt  }
0x7c: {  	_ =	shalt  }
0x7d: {  	_ =	shalt  }
0x7e: {  	_ =	shalt  }
0x7f: {  	_ =	shalt  }
0x80: {  	_ =	shalt  }
0x81: {  	_ =	shalt  }
0x82: {  	_ =	shalt  }
0x83: {  	_ =	shalt  }
0x84: {  	_ =	shalt  }
0x85: {  	_ =	shalt  }
0x86: {  	_ =	shalt  }
0x87: {  	_ =	shalt  }
.Lfunc_end0:
.L_simem_size_0:
called_computation_lowered:
.L_overlay_start_0:
0x88: {  	s2 =	sld [smem:$0x3FD9]  }
0x89: {  	s3 =	sld [smem:$0x3FFE];
	_ =	sdelay $0x1  }
0x8a: {  	s1 =	srdreg.scid  }
0x8b: {  	s0 =	sand.u32 $0x1, s1  }
0x8c: {  	s16 =	sshll.u32 s0, $0xA;
	s2 =	sadd.s32 s3, s2  }
0x8d: {  	s2 =	sadd.s32 s2, s16  }
0x8e: {  	[smem:$0x3FBA] =	sst s2  }
0x8f: {  	_ = 	snop  }
0x90: {  	(tm) =	ssettm $0x1  }
0x91: {  	s17 =	sld [smem:$0x3FFB];
	_ =	sdelay $0x3  }
0x92: {  	_ =	strace s17  }
0x93: {  	s2 =	sld [smem:$0x3FFC];
	_ =	sdelay $0x3  }
0x94: {  	_ =	strace s2  }
0x95: {  	s2 =	sld [smem:$0x3FFD];
	_ =	sdelay $0x3  }
0x96: {  	_ =	strace s2  }
0x97: {  	_ =	strace $0x8FFFFFFF  }
0x98: {  	s18 =	sld [smem:$0x3FDB];
	_ =	sdelay $0x1  }
0x99: {  	s19 =	simm.s32 $_scs_section_size  }
0x9a: {  	s4 =	simm.s32 $_size__tile_overlayer_lowered;
	s5 =	simm.s32 $_tile_overlayer_lowered  }
0x9b: {  	s22 =	simm.s32 $0x1BFF;
	s21 =	sshll.u32 s5, $0x1;
	s2 =	sadd.s32 s19, s18  }
0x9c: {  	s6 =	simm.s32 $0x0;
	s20 =	sshll.u32 s4, $0x1;
	s4 =	sadd.s32 s21, s2  }
0x9d: {  	[timem:s6], [sflag:s22] =	dma.local [hbm:s4], s20  }
0x9e: {  	_ =	swait.ge [sflag:s22], s20  }
0x9f: {  	s3 =	ssub.s32 $0x0, s20;
	[sflag:s22] =	ssyncset.done $0x0  }
0xa0: {  	[sflag:s22] =	ssyncadd.s32 s3;
	_ =	sdelay $0x1  }
0xa1: {  	s23 =	simm.s32 $0x1B8B  }
0xa2: {  	_ =	swait.ge [sflag:s23], $0x1  }
0xa3: {  	[sflag:s23] =	ssyncset.done $0x0  }
0xa4: {  	s25 =	simm.s32 $0x1B8E;
	s24 =	sld [smem:$0x3FFE];
	[sflag:s23] =	ssyncadd.s32 $0xFFFFFFFF  }
0xa5: {  	s26 =	simm.s32 $execute0_lowered;
	[smem:$0x3FD2] =	sst s25  }
0xa6: {  	s4 =	sshll.u32 s26, $0x1;
	_ =	strace $0x80000046;
	[dreg:$0x1] =	wrdreg $0xFFFFFFFF  }
0xa7: {  	s28 =	simm.s32 $_size_execute0_lowered;
	s2 =	sadd.s32 s2, s4;
	[dreg:$0x0] =	wrdreg $0x0  }
0xa8: {  	s4 =	sshll.u32 s28, $0x1;
	[dreg:$0x2] =	wrdreg s2  }
0xa9: {  	[dreg:$0x3] =	wrdreg s4  }
0xaa: {  	[dreg:$0x4] =	wrdreg $0xC0  }
0xab: {  	_ =	task [dreg:s6], $0x5FFFF  }
0xac: {  	[dreg:$0x1] =	wrdreg $0xFFFFFFFF  }
0xad: {  	[dreg:$0x0] =	wrdreg $0x60  }
0xae: {  	[dreg:$0x2] =	wrdreg s24  }
0xaf: {  	[dreg:$0x3] =	wrdreg $0x9  }
0xb0: {  	_ =	task.clear_ibuf [dreg:s6], $0x4FFFF;
	_ =	strace $0x90000046  }
0xb1: {  	s29 =	simm.s32 $0x9;
	_ =	strace $0x80000048  }
0xb2: {  	_ =	swait.ge [sflag:s29], $0x1  }
0xb3: {  	[sflag:s29] =	ssyncadd.s32 $0xFFFFFFFF  }
0xb4: {  	_ =	strace $0x90000048  }
0xb5: {  	_ =	sfence  }
0xb6: {  	s30 =	sld [smem:$0x0];
	_ =	sdelay $0x2  }
0xb7: {  	s31 =	sshll.u32 s1, $0xD;
	s1 =	sshrl.u32 s1, $0x2  }
0xb8: {  	s3 =	sand.u32 $0x4000, s31;
	s1 =	sadd.s32 s1, s30  }
0xb9: {  	s0 =	sor.u32 s3, s0;
	s1 =	sshll.u32 s1, $0x11  }
0xba: {  	s0 =	sor.u32 s1, s0  }
0xbb: {  	s0 =	sadd.s32 $0x8F2B, s0  }
0xbc: {  	[sflag:s0] =	ssyncadd.remote.s32 $0x1  }
0xbd: {  	_ =	sfence.sel $0xFFFF  }
0xbe: {  	[dreg:$0x0] =	wrdreg $0xFFFFFFFF;
	(pc) =	sbr.abs _section_cstart, $3  }
0xbf: {  	[dreg:$0x1] =	wrdreg $0xFFFFFFFF  }
0xc0: {  	_ =	task.clear_ibuf [dreg:s6], $0x2FFFF;
	_ =	strace $0x9FFFFFFF  }
0xc1: {  	(tm) =	ssettm $0x7FFFFFFF  }
tec
execute0_lowered:
.L_overlay_start_1:
0x0: {  	(tag) =	ssettag $0x1  }
0x1: {  	s1 =	srdreg.scid  }
0x2: {  	s0 =	stileid.u32;
	s9 =	rddreg [dreg:$0x0];
	s6 =	sand.u32 $0x1, s1  }
0x3: {  	s7 =	simm.s32 $0x80;
	s30 =	sshll.u32 s0, $0x5;
	s2 =	sshll.u32 s6, $0x4  }
0x4: {  	s8 =	simm.s32 $0x1;
	s1 =	rddreg [dreg:$0x1];
	s10 =	sor.u32 s2, s30  }
0x5: {  	s5 =	sadd.s32 $0x40400, s9;
	s2 =	simm.s32 $0x0;
	s3 =	sshrl.u32 s10, $0x3  }
0x6: {  	s11 =	ssub.s32 $0x2, s6;
	[smem:$0x7FF] =	sst s2;
	s3 =	sadd.s32 s3, s9  }
0x7: {  	_ =	strace $0x80000047;
	s4 =	sadd.s32 $0x400, s3;
	s3 =	simm.s32 $0x2  }
0x8: {  	[tilespmem:s2], [sflag:$0x2] =	stream.linear.gather [hbm4b:s4+s2], $0x10, $0x38;
	[tilespmem:$0x880] =	vst v63  }
0x9: {  	s6 =	simm.s32 $0x10;
	s12 =	sshrl.u32 s11, $0x1;
	_ =	swait.ge [sflag:s3], $0x10  }
0xa: {  	s10 =	sshll.u32 s10, $0x4;
	s31 =	ssub.s32 s11, s12;
	[sflag:s3] =	ssyncset.done $0x0  }
0xb: {  	s9 =	sadd.s32 s10, s9;
	s10 =	smax.u32 s31, $0x1;
	[sflag:s3] =	ssyncadd.s32 $0xFFFFFFF0  }
0xc: {  	[tilespmem:s7], [sflag:$0x1] =	stream.indirect.gather [hbm4b:s5+s6], $0x80, s2, s6, $0xb8;
	[tilespmem:$0x880] =	vst v63  }
0xd: {  	p0 =	sne.s32 s10, $0x1;
	_ =	swait.ge [sflag:s8], $0x800  }
.Ltmp0:
0xe: {  	[sflag:s8] =	ssyncset.done $0x0;
	(pc) =	sbr.rel @!p0 .LBB2_2-.Ltmp0, $4  }
0xf: {  	s9 =	sadd.s32 $0x600, s9;
	[sflag:s8] =	ssyncadd.s32 $0xFFFFF800  }
0x10: {  	[hbm4b:s9+s2] =	stream.linear.scatter [tilespmem:s7], [sflag:$0x2], $0x800, $0x38;
	[tilespmem:$0x880] =	vst v63  }
0x11: {  	_ =	swait.ge [sflag:s3], $0x800  }
0x12: {  	s10 =	sadd.s32 $0xFFFFFFFF, s10;
	[sflag:s3] =	ssyncset.done $0x0  }
.LBB2_1:
0x13: {  	p0 =	sne.s32 s10, $0x1;
	s10 =	sadd.s32 $0xFFFFFFFF, s10;
	[sflag:s3] =	ssyncadd.s32 $0xFFFFF800  }
0x14: {  	[tilespmem:s2], [sflag:$0x2] =	stream.linear.gather [hbm4b:s4+s2], $0x10, $0x38;
	[tilespmem:$0x880] =	vst v63  }
0x15: {  	_ =	swait.ge [sflag:s3], $0x10  }
0x16: {  	[sflag:s3] =	ssyncset.done $0x0  }
0x17: {  	[sflag:s3] =	ssyncadd.s32 $0xFFFFFFF0  }
0x18: {  	[tilespmem:s7], [sflag:$0x1] =	stream.indirect.gather [hbm4b:s5+s6], $0x80, s2, s6, $0xb8;
	[tilespmem:$0x880] =	vst v63  }
0x19: {  	_ =	swait.ge [sflag:s8], $0x800  }
.Ltmp1:
0x1a: {  	[sflag:s8] =	ssyncset.done $0x0;
	(pc) =	sbr.rel @p0 .LBB2_1-.Ltmp1, $4  }
0x1b: {  	[sflag:s8] =	ssyncadd.s32 $0xFFFFF800  }
0x1c: {  	[hbm4b:s9+s2] =	stream.linear.scatter [tilespmem:s7], [sflag:$0x2], $0x800, $0x38;
	[tilespmem:$0x880] =	vst v63  }
0x1d: {  	_ =	swait.ge [sflag:s3], $0x800  }
0x1e: {  	[sflag:s3] =	ssyncset.done $0x0  }
.LBB2_2:
0x1f: {  	[sflag:s3] =	ssyncadd.s32 $0xFFFFF800  }
0x20: {  	_ =	sfence.sel $0x180000  }
0x21: {  	[bflag:$0x0] =	sbarrier.arrive $0xFFFF  }
0x22: {  	p0 =	sne.s32 s0, $0x0;
	_ =	strace $0x90000047  }
0x23: {  	s0 =	sadd.s32 @!p0 $0x100000, s1;
	[bflag:$0x2] =	sbarrier.arrive $0xFFFF  }
0x24: {  	[sflag:s0] =	ssyncadd.tile.s32 @!p0 $0x1;
	_ =	shalt  }
.Lfunc_end2:
_tile_overlayer_lowered:
.L_overlay_start_2:
0x25: {  	(tag) =	ssettag $0x2  }
0x26: {  	s0 =	rddreg [dreg:$0x0];
	s2 =	stileid.u32  }
0x27: {  	s1 =	rddreg [dreg:$0x1];
	p0 =	sne.s32 s2, $0x0  }
0x28: {  	s3 =	rddreg [dreg:$0x2];
	[bflag:$0x3] =	sbarrier.arrive $0xFFFF;
	s2 =	simm.s32 @!p0 $0x1C02  }
0x29: {  	[timem:s3], [sflag:s2] =	dma.local @!p0 [hbm:s0], s1  }
0x2a: {  	s0 =	simm.s32 @!p0 $0x2  }
0x2b: {  	_ =	swait.ge @!p0 [sflag:s0], s1  }
0x2c: {  	s1 =	ssub.s32 @!p0 $0x0, s1;
	[sflag:s0] =	ssyncset.done @!p0 $0x0  }
0x2d: {  	[sflag:s0] =	ssyncadd.s32 @!p0 s1  }
0x2e: {  	[bflag:$0x3] =	sbarrier.arrive $0xFFFF  }
0x2f: {  	_ =	shalt  }

</sc_bundles>
